<compile_context>
chip_gen: v7x
topology: tpu7x:2x2x1
jax: 0.10.2.dev20260603
libtpu: 0.0.44.dev20260713+nightly
codegen_flags: <defaults>
</compile_context>

<pallas_src>
import jax
import jax.numpy as jnp
from jax import lax
from jax.experimental import pallas as pl
from jax.experimental.pallas import tpu as pltpu
from jax.experimental.pallas import tpu_sc as plsc

D = 64
B = 16384
NC = 2
NS = 16
NW = NC * NS
B_PER_W = B // NW
L = 16
NG = B_PER_W // L
G = B // 8


def _embed_body(table_hbm, tokens_hbm, out_hbm, tok_v, out_v, sem):
    wid = lax.axis_index("s") * NC + lax.axis_index("c")
    pltpu.sync_copy(tokens_hbm.at[wid], tok_v)

    def issue_group(g, carry):
        tok = tok_v[pl.ds(g * L, L)]
        grp = jax.lax.shift_right_logical(tok, 3)
        sub = tok & 7
        for lane in range(L):
            pltpu.async_copy(
                table_hbm.at[grp[lane], sub[lane]],
                out_v.at[2 * g + (lane >> 3), lane & 7],
                sem,
            )
        return carry

    lax.fori_loop(0, NG, issue_group, 0)
    pltpu.make_async_copy(table_hbm.at[pl.ds(0, 2 * NG)], out_v, sem).wait()
    pltpu.sync_copy(out_v, out_hbm.at[pl.ds(wid * 2 * NG, 2 * NG)])


@jax.jit
def _embed(table3, tokens2):
    call = pl.kernel(
        _embed_body,
        out_type=jax.ShapeDtypeStruct((G, 8, D), jnp.float32),
        mesh=plsc.VectorSubcoreMesh(core_axis_name="c", subcore_axis_name="s"),
        scratch_types=[
            pltpu.VMEM((B_PER_W,), jnp.int32),
            pltpu.VMEM((2 * NG, 8, D), jnp.float32),
            pltpu.SemaphoreType.DMA,
        ],
        compiler_params=pltpu.CompilerParams(needs_layout_passes=False),
    )
    return call(table3, tokens2)


def kernel(tokens, embedding_weight):
    table3 = embedding_weight.reshape(125000, 8, D)
    tokens2 = tokens.astype(jnp.int32).reshape(NW, B_PER_W)
    out3 = _embed(table3, tokens2)
    return out3.reshape(B, D)

# --- scband reference (transcript-rebuilt; emitter-appended) ---
"""Pipeline reference for scband-dummy-embed-mu-30580167147522 (READ-ONLY COPY).

The authoritative reference and input builder live on the scoring server;
editing this copy changes nothing except your own understanding.
"""

import jax, jax.numpy as jnp
import numpy as np

VOCAB = 1000000
D_MODEL = 64
BATCH = 16384

def setup_inputs(seed: int = 0) -> dict:
    key = jax.random.key(seed)
    k_tok, k_emb = jax.random.split(key)
    tokens = jax.random.randint(k_tok, (BATCH,), 0, VOCAB, dtype=jnp.int64 if jax.config.jax_enable_x64 else jnp.int32)
    embedding_weight = jax.random.normal(k_emb, (VOCAB, D_MODEL), dtype=jnp.float32)
    return {"tokens": tokens, "embedding_weight": embedding_weight}

def reference(tokens, embedding_weight):
    # nn.Embedding forward: gather rows of the table by token id
    return jnp.take(embedding_weight, tokens, axis=0)

if __name__ == "__main__":
    import jax
    _d = setup_inputs()
    print(jax.jit(kernel)(*tuple(_d.values())))

</pallas_src>

<mosaic_0001>
#map = affine_map<(d0, d1) -> (0, 0, 0)>
#map1 = affine_map<(d0, d1) -> (0, 0)>
module attributes {stable_mosaic.version = 14 : i64} {
  func.func @_embed_body(%arg0: i32, %arg1: i32, %arg2: memref<125000x8x64xf32, #tpu.memory_space<hbm>>, %arg3: memref<32x512xi32, #tpu.memory_space<hbm>>, %arg4: memref<2048x8x64xf32, #tpu.memory_space<hbm>>, %arg5: memref<512xi32, #tpu.memory_space<vmem>>, %arg6: memref<64x8x64xf32, #tpu.memory_space<vmem>>, %arg7: memref<!tpu.dma_semaphore, #tpu.memory_space<semaphore_mem>>) attributes {dimension_semantics = [#tpu.dimension_semantics<core_parallel>, #tpu.dimension_semantics<subcore_parallel>], iteration_bounds = array<i64: 2, 16>, scalar_prefetch = 0 : i64, scratch_operands = 3 : i64, tpu.core_type = #tpu.core_type<sc_vector_subcore>, window_params = [{transform_indices = #map}, {transform_indices = #map1}, {transform_indices = #map}]} {
    %mul3A = arith.constant 2 : i32
    %mul3A_0 = arith.muli %arg1, %mul3A : i32
    %add3A = arith.addi %mul3A_0, %arg0 : i32
    "tpu.region"() ({
      %run_scoped3A = tpu.sem_alloc : memref<!tpu.dma_semaphore, #tpu.memory_space<semaphore_mem>>
      %dma_start3A = arith.constant 0 : i32
      %dma_start3A_17 = tpu.memref_slice %arg3[%add3A, %dma_start3A] : memref<32x512xi32, #tpu.memory_space<hbm>> -> memref<1x512xi32, #tpu.memory_space<hbm>>
      %dma_start3A_18 = tpu.memref_squeeze %dma_start3A_17 : memref<1x512xi32, #tpu.memory_space<hbm>> -> memref<512xi32, #tpu.memory_space<hbm>>
      %dma_start3A_19 = arith.constant 0 : i32
      %dma_start3A_20 = tpu.memref_slice %arg3[%add3A, %dma_start3A_19] : memref<32x512xi32, #tpu.memory_space<hbm>> -> memref<1x512xi32, #tpu.memory_space<hbm>>
      %dma_start3A_21 = tpu.memref_squeeze %dma_start3A_20 : memref<1x512xi32, #tpu.memory_space<hbm>> -> memref<512xi32, #tpu.memory_space<hbm>>
      tpu.enqueue_dma source(%dma_start3A_21 : memref<512xi32, #tpu.memory_space<hbm>>) target(%arg5 : memref<512xi32, #tpu.memory_space<vmem>>) target_semaphore(%run_scoped3A : memref<!tpu.dma_semaphore, #tpu.memory_space<semaphore_mem>>)
      %dma_wait3A_22 = arith.constant 0 : i32
      %dma_wait3A_23 = tpu.memref_slice %arg3[%add3A, %dma_wait3A_22] : memref<32x512xi32, #tpu.memory_space<hbm>> -> memref<1x512xi32, #tpu.memory_space<hbm>>
      %dma_wait3A_24 = tpu.memref_squeeze %dma_wait3A_23 : memref<1x512xi32, #tpu.memory_space<hbm>> -> memref<512xi32, #tpu.memory_space<hbm>>
      %dma_wait3A_25 = arith.constant 0 : i32
      %dma_wait3A_26 = tpu.memref_slice %arg3[%add3A, %dma_wait3A_25] : memref<32x512xi32, #tpu.memory_space<hbm>> -> memref<1x512xi32, #tpu.memory_space<hbm>>
      %dma_wait3A_27 = tpu.memref_squeeze %dma_wait3A_26 : memref<1x512xi32, #tpu.memory_space<hbm>> -> memref<512xi32, #tpu.memory_space<hbm>>
      tpu.wait_dma2 semaphore(%run_scoped3A : memref<!tpu.dma_semaphore, #tpu.memory_space<semaphore_mem>>) src(%dma_wait3A_27 : memref<512xi32, #tpu.memory_space<hbm>>) dst(%arg5 : memref<512xi32, #tpu.memory_space<vmem>>)
      tpu.yield
    }) : () -> ()
    %scan3A = arith.constant 0 : i32
    %scan3A_1 = arith.constant 0 : i32
    %scan3A_2 = arith.constant 32 : i32
    %scan3A_3 = arith.addi %scan3A_1, %scan3A_2 : i32
    %scan3A_4 = arith.constant 1 : i32
    scf.for %scan3A_17 = %scan3A_1 to %scan3A_3 step %scan3A_4  : i32 {
      %mul3A_18 = arith.constant 16 : i32
      %mul3A_19 = arith.muli %scan3A_17, %mul3A_18 : i32
      %get3A = arith.index_cast %mul3A_19 : i32 to index
      %get3A_20 = tpu.vector_load %arg5[%get3A] {strides = array<i32>} : memref<512xi32, #tpu.memory_space<vmem>>, vector<16xi32>,
      %shift_right_logical3A = arith.constant 3 : i32
      %shift_right_logical3A_21 = vector.broadcast %shift_right_logical3A : i32 to vector<16xi32>
      %shift_right_logical3A_22 = arith.shrui %get3A_20, %shift_right_logical3A_21 : vector<16xi32>
      %and3A = arith.constant 7 : i32
      %and3A_23 = vector.broadcast %and3A : i32 to vector<16xi32>
      %and3A_24 = arith.andi %get3A_20, %and3A_23 : vector<16xi32>
      %slice3A = vector.extract_strided_slice %shift_right_logical3A_22 {offsets = [0], sizes = [1], strides = [1]} : vector<16xi32> to vector<1xi32>
      %squeeze3A = vector.extract %slice3A[0] : i32 from vector<1xi32>
      %slice3A_25 = vector.extract_strided_slice %and3A_24 {offsets = [0], sizes = [1], strides = [1]} : vector<16xi32> to vector<1xi32>
      %squeeze3A_26 = vector.extract %slice3A_25[0] : i32 from vector<1xi32>
      %mul3A_27 = arith.constant 2 : i32
      %mul3A_28 = arith.muli %mul3A_27, %scan3A_17 : i32
      %add3A_29 = arith.constant 0 : i32
      %add3A_30 = arith.addi %mul3A_28, %add3A_29 : i32
      %dma_start3A = arith.constant 0 : i32
      %dma_start3A_31 = arith.constant 0 : i32
      %dma_start3A_32 = tpu.memref_slice %arg6[%add3A_30, %dma_start3A, %dma_start3A_31] : memref<64x8x64xf32, #tpu.memory_space<vmem>> -> memref<1x1x64xf32, #tpu.memory_space<vmem>>
      %dma_start3A_33 = tpu.memref_squeeze %dma_start3A_32 : memref<1x1x64xf32, #tpu.memory_space<vmem>> -> memref<64xf32, #tpu.memory_space<vmem>>
      %dma_start3A_34 = arith.constant 0 : i32
      %dma_start3A_35 = tpu.memref_slice %arg2[%squeeze3A, %squeeze3A_26, %dma_start3A_34] : memref<125000x8x64xf32, #tpu.memory_space<hbm>> -> memref<1x1x64xf32, #tpu.memory_space<hbm>>
      %dma_start3A_36 = tpu.memref_squeeze %dma_start3A_35 : memref<1x1x64xf32, #tpu.memory_space<hbm>> -> memref<64xf32, #tpu.memory_space<hbm>>
      %dma_start3A_37 = arith.constant 0 : i32
      %dma_start3A_38 = tpu.memref_slice %arg6[%add3A_30, %dma_start3A, %dma_start3A_37] : memref<64x8x64xf32, #tpu.memory_space<vmem>> -> memref<1x1x64xf32, #tpu.memory_space<vmem>>
      %dma_start3A_39 = tpu.memref_squeeze %dma_start3A_38 : memref<1x1x64xf32, #tpu.memory_space<vmem>> -> memref<64xf32, #tpu.memory_space<vmem>>
      %dma_start3A_40 = arith.constant 0 : i32
      %dma_start3A_41 = tpu.memref_slice %arg2[%squeeze3A, %squeeze3A_26, %dma_start3A_40] : memref<125000x8x64xf32, #tpu.memory_space<hbm>> -> memref<1x1x64xf32, #tpu.memory_space<hbm>>
      %dma_start3A_42 = tpu.memref_squeeze %dma_start3A_41 : memref<1x1x64xf32, #tpu.memory_space<hbm>> -> memref<64xf32, #tpu.memory_space<hbm>>
      tpu.enqueue_dma source(%dma_start3A_42 : memref<64xf32, #tpu.memory_space<hbm>>) target(%dma_start3A_39 : memref<64xf32, #tpu.memory_space<vmem>>) target_semaphore(%arg7 : memref<!tpu.dma_semaphore, #tpu.memory_space<semaphore_mem>>)
      %slice3A_43 = vector.extract_strided_slice %shift_right_logical3A_22 {offsets = [1], sizes = [1], strides = [1]} : vector<16xi32> to vector<1xi32>
      %squeeze3A_44 = vector.extract %slice3A_43[0] : i32 from vector<1xi32>
      %slice3A_45 = vector.extract_strided_slice %and3A_24 {offsets = [1], sizes = [1], strides = [1]} : vector<16xi32> to vector<1xi32>
      %squeeze3A_46 = vector.extract %slice3A_45[0] : i32 from vector<1xi32>
      %mul3A_47 = arith.constant 2 : i32
      %mul3A_48 = arith.muli %mul3A_47, %scan3A_17 : i32
      %add3A_49 = arith.constant 0 : i32
      %add3A_50 = arith.addi %mul3A_48, %add3A_49 : i32
      %dma_start3A_51 = arith.constant 1 : i32
      %dma_start3A_52 = arith.constant 0 : i32
      %dma_start3A_53 = tpu.memref_slice %arg6[%add3A_50, %dma_start3A_51, %dma_start3A_52] : memref<64x8x64xf32, #tpu.memory_space<vmem>> -> memref<1x1x64xf32, #tpu.memory_space<vmem>>
      %dma_start3A_54 = tpu.memref_squeeze %dma_start3A_53 : memref<1x1x64xf32, #tpu.memory_space<vmem>> -> memref<64xf32, #tpu.memory_space<vmem>>
      %dma_start3A_55 = arith.constant 0 : i32
      %dma_start3A_56 = tpu.memref_slice %arg2[%squeeze3A_44, %squeeze3A_46, %dma_start3A_55] : memref<125000x8x64xf32, #tpu.memory_space<hbm>> -> memref<1x1x64xf32, #tpu.memory_space<hbm>>
      %dma_start3A_57 = tpu.memref_squeeze %dma_start3A_56 : memref<1x1x64xf32, #tpu.memory_space<hbm>> -> memref<64xf32, #tpu.memory_space<hbm>>
      %dma_start3A_58 = arith.constant 0 : i32
      %dma_start3A_59 = tpu.memref_slice %arg6[%add3A_50, %dma_start3A_51, %dma_start3A_58] : memref<64x8x64xf32, #tpu.memory_space<vmem>> -> memref<1x1x64xf32, #tpu.memory_space<vmem>>
      %dma_start3A_60 = tpu.memref_squeeze %dma_start3A_59 : memref<1x1x64xf32, #tpu.memory_space<vmem>> -> memref<64xf32, #tpu.memory_space<vmem>>
      %dma_start3A_61 = arith.constant 0 : i32
      %dma_start3A_62 = tpu.memref_slice %arg2[%squeeze3A_44, %squeeze3A_46, %dma_start3A_61] : memref<125000x8x64xf32, #tpu.memory_space<hbm>> -> memref<1x1x64xf32, #tpu.memory_space<hbm>>
      %dma_start3A_63 = tpu.memref_squeeze %dma_start3A_62 : memref<1x1x64xf32, #tpu.memory_space<hbm>> -> memref<64xf32, #tpu.memory_space<hbm>>
      tpu.enqueue_dma source(%dma_start3A_63 : memref<64xf32, #tpu.memory_space<hbm>>) target(%dma_start3A_60 : memref<64xf32, #tpu.memory_space<vmem>>) target_semaphore(%arg7 : memref<!tpu.dma_semaphore, #tpu.memory_space<semaphore_mem>>)
      %slice3A_64 = vector.extract_strided_slice %shift_right_logical3A_22 {offsets = [2], sizes = [1], strides = [1]} : vector<16xi32> to vector<1xi32>
      %squeeze3A_65 = vector.extract %slice3A_64[0] : i32 from vector<1xi32>
      %slice3A_66 = vector.extract_strided_slice %and3A_24 {offsets = [2], sizes = [1], strides = [1]} : vector<16xi32> to vector<1xi32>
      %squeeze3A_67 = vector.extract %slice3A_66[0] : i32 from vector<1xi32>
      %mul3A_68 = arith.constant 2 : i32
      %mul3A_69 = arith.muli %mul3A_68, %scan3A_17 : i32
      %add3A_70 = arith.constant 0 : i32
      %add3A_71 = arith.addi %mul3A_69, %add3A_70 : i32
      %dma_start3A_72 = arith.constant 2 : i32
      %dma_start3A_73 = arith.constant 0 : i32
      %dma_start3A_74 = tpu.memref_slice %arg6[%add3A_71, %dma_start3A_72, %dma_start3A_73] : memref<64x8x64xf32, #tpu.memory_space<vmem>> -> memref<1x1x64xf32, #tpu.memory_space<vmem>>
      %dma_start3A_75 = tpu.memref_squeeze %dma_start3A_74 : memref<1x1x64xf32, #tpu.memory_space<vmem>> -> memref<64xf32, #tpu.memory_space<vmem>>
      %dma_start3A_76 = arith.constant 0 : i32
      %dma_start3A_77 = tpu.memref_slice %arg2[%squeeze3A_65, %squeeze3A_67, %dma_start3A_76] : memref<125000x8x64xf32, #tpu.memory_space<hbm>> -> memref<1x1x64xf32, #tpu.memory_space<hbm>>
      %dma_start3A_78 = tpu.memref_squeeze %dma_start3A_77 : memref<1x1x64xf32, #tpu.memory_space<hbm>> -> memref<64xf32, #tpu.memory_space<hbm>>
      %dma_start3A_79 = arith.constant 0 : i32
      %dma_start3A_80 = tpu.memref_slice %arg6[%add3A_71, %dma_start3A_72, %dma_start3A_79] : memref<64x8x64xf32, #tpu.memory_space<vmem>> -> memref<1x1x64xf32, #tpu.memory_space<vmem>>
      %dma_start3A_81 = tpu.memref_squeeze %dma_start3A_80 : memref<1x1x64xf32, #tpu.memory_space<vmem>> -> memref<64xf32, #tpu.memory_space<vmem>>
      %dma_start3A_82 = arith.constant 0 : i32
      %dma_start3A_83 = tpu.memref_slice %arg2[%squeeze3A_65, %squeeze3A_67, %dma_start3A_82] : memref<125000x8x64xf32, #tpu.memory_space<hbm>> -> memref<1x1x64xf32, #tpu.memory_space<hbm>>
      %dma_start3A_84 = tpu.memref_squeeze %dma_start3A_83 : memref<1x1x64xf32, #tpu.memory_space<hbm>> -> memref<64xf32, #tpu.memory_space<hbm>>
      tpu.enqueue_dma source(%dma_start3A_84 : memref<64xf32, #tpu.memory_space<hbm>>) target(%dma_start3A_81 : memref<64xf32, #tpu.memory_space<vmem>>) target_semaphore(%arg7 : memref<!tpu.dma_semaphore, #tpu.memory_space<semaphore_mem>>)
      %slice3A_85 = vector.extract_strided_slice %shift_right_logical3A_22 {offsets = [3], sizes = [1], strides = [1]} : vector<16xi32> to vector<1xi32>
      %squeeze3A_86 = vector.extract %slice3A_85[0] : i32 from vector<1xi32>
      %slice3A_87 = vector.extract_strided_slice %and3A_24 {offsets = [3], sizes = [1], strides = [1]} : vector<16xi32> to vector<1xi32>
      %squeeze3A_88 = vector.extract %slice3A_87[0] : i32 from vector<1xi32>
      %mul3A_89 = arith.constant 2 : i32
      %mul3A_90 = arith.muli %mul3A_89, %scan3A_17 : i32
      %add3A_91 = arith.constant 0 : i32
      %add3A_92 = arith.addi %mul3A_90, %add3A_91 : i32
      %dma_start3A_93 = arith.constant 3 : i32
      %dma_start3A_94 = arith.constant 0 : i32
      %dma_start3A_95 = tpu.memref_slice %arg6[%add3A_92, %dma_start3A_93, %dma_start3A_94] : memref<64x8x64xf32, #tpu.memory_space<vmem>> -> memref<1x1x64xf32, #tpu.memory_space<vmem>>
      %dma_start3A_96 = tpu.memref_squeeze %dma_start3A_95 : memref<1x1x64xf32, #tpu.memory_space<vmem>> -> memref<64xf32, #tpu.memory_space<vmem>>
      %dma_start3A_97 = arith.constant 0 : i32
      %dma_start3A_98 = tpu.memref_slice %arg2[%squeeze3A_86, %squeeze3A_88, %dma_start3A_97] : memref<125000x8x64xf32, #tpu.memory_space<hbm>> -> memref<1x1x64xf32, #tpu.memory_space<hbm>>
      %dma_start3A_99 = tpu.memref_squeeze %dma_start3A_98 : memref<1x1x64xf32, #tpu.memory_space<hbm>> -> memref<64xf32, #tpu.memory_space<hbm>>
      %dma_start3A_100 = arith.constant 0 : i32
      %dma_start3A_101 = tpu.memref_slice %arg6[%add3A_92, %dma_start3A_93, %dma_start3A_100] : memref<64x8x64xf32, #tpu.memory_space<vmem>> -> memref<1x1x64xf32, #tpu.memory_space<vmem>>
      %dma_start3A_102 = tpu.memref_squeeze %dma_start3A_101 : memref<1x1x64xf32, #tpu.memory_space<vmem>> -> memref<64xf32, #tpu.memory_space<vmem>>
      %dma_start3A_103 = arith.constant 0 : i32
      %dma_start3A_104 = tpu.memref_slice %arg2[%squeeze3A_86, %squeeze3A_88, %dma_start3A_103] : memref<125000x8x64xf32, #tpu.memory_space<hbm>> -> memref<1x1x64xf32, #tpu.memory_space<hbm>>
      %dma_start3A_105 = tpu.memref_squeeze %dma_start3A_104 : memref<1x1x64xf32, #tpu.memory_space<hbm>> -> memref<64xf32, #tpu.memory_space<hbm>>
      tpu.enqueue_dma source(%dma_start3A_105 : memref<64xf32, #tpu.memory_space<hbm>>) target(%dma_start3A_102 : memref<64xf32, #tpu.memory_space<vmem>>) target_semaphore(%arg7 : memref<!tpu.dma_semaphore, #tpu.memory_space<semaphore_mem>>)
      %slice3A_106 = vector.extract_strided_slice %shift_right_logical3A_22 {offsets = [4], sizes = [1], strides = [1]} : vector<16xi32> to vector<1xi32>
      %squeeze3A_107 = vector.extract %slice3A_106[0] : i32 from vector<1xi32>
      %slice3A_108 = vector.extract_strided_slice %and3A_24 {offsets = [4], sizes = [1], strides = [1]} : vector<16xi32> to vector<1xi32>
      %squeeze3A_109 = vector.extract %slice3A_108[0] : i32 from vector<1xi32>
      %mul3A_110 = arith.constant 2 : i32
      %mul3A_111 = arith.muli %mul3A_110, %scan3A_17 : i32
      %add3A_112 = arith.constant 0 : i32
      %add3A_113 = arith.addi %mul3A_111, %add3A_112 : i32
      %dma_start3A_114 = arith.constant 4 : i32
      %dma_start3A_115 = arith.constant 0 : i32
      %dma_start3A_116 = tpu.memref_slice %arg6[%add3A_113, %dma_start3A_114, %dma_start3A_115] : memref<64x8x64xf32, #tpu.memory_space<vmem>> -> memref<1x1x64xf32, #tpu.memory_space<vmem>>
      %dma_start3A_117 = tpu.memref_squeeze %dma_start3A_116 : memref<1x1x64xf32, #tpu.memory_space<vmem>> -> memref<64xf32, #tpu.memory_space<vmem>>
      %dma_start3A_118 = arith.constant 0 : i32
      %dma_start3A_119 = tpu.memref_slice %arg2[%squeeze3A_107, %squeeze3A_109, %dma_start3A_118] : memref<125000x8x64xf32, #tpu.memory_space<hbm>> -> memref<1x1x64xf32, #tpu.memory_space<hbm>>
      %dma_start3A_120 = tpu.memref_squeeze %dma_start3A_119 : memref<1x1x64xf32, #tpu.memory_space<hbm>> -> memref<64xf32, #tpu.memory_space<hbm>>
      %dma_start3A_121 = arith.constant 0 : i32
      %dma_start3A_122 = tpu.memref_slice %arg6[%add3A_113, %dma_start3A_114, %dma_start3A_121] : memref<64x8x64xf32, #tpu.memory_space<vmem>> -> memref<1x1x64xf32, #tpu.memory_space<vmem>>
      %dma_start3A_123 = tpu.memref_squeeze %dma_start3A_122 : memref<1x1x64xf32, #tpu.memory_space<vmem>> -> memref<64xf32, #tpu.memory_space<vmem>>
      %dma_start3A_124 = arith.constant 0 : i32
      %dma_start3A_125 = tpu.memref_slice %arg2[%squeeze3A_107, %squeeze3A_109, %dma_start3A_124] : memref<125000x8x64xf32, #tpu.memory_space<hbm>> -> memref<1x1x64xf32, #tpu.memory_space<hbm>>
      %dma_start3A_126 = tpu.memref_squeeze %dma_start3A_125 : memref<1x1x64xf32, #tpu.memory_space<hbm>> -> memref<64xf32, #tpu.memory_space<hbm>>
      tpu.enqueue_dma source(%dma_start3A_126 : memref<64xf32, #tpu.memory_space<hbm>>) target(%dma_start3A_123 : memref<64xf32, #tpu.memory_space<vmem>>) target_semaphore(%arg7 : memref<!tpu.dma_semaphore, #tpu.memory_space<semaphore_mem>>)
      %slice3A_127 = vector.extract_strided_slice %shift_right_logical3A_22 {offsets = [5], sizes = [1], strides = [1]} : vector<16xi32> to vector<1xi32>
      %squeeze3A_128 = vector.extract %slice3A_127[0] : i32 from vector<1xi32>
      %slice3A_129 = vector.extract_strided_slice %and3A_24 {offsets = [5], sizes = [1], strides = [1]} : vector<16xi32> to vector<1xi32>
      %squeeze3A_130 = vector.extract %slice3A_129[0] : i32 from vector<1xi32>
      %mul3A_131 = arith.constant 2 : i32
      %mul3A_132 = arith.muli %mul3A_131, %scan3A_17 : i32
      %add3A_133 = arith.constant 0 : i32
      %add3A_134 = arith.addi %mul3A_132, %add3A_133 : i32
      %dma_start3A_135 = arith.constant 5 : i32
      %dma_start3A_136 = arith.constant 0 : i32
      %dma_start3A_137 = tpu.memref_slice %arg6[%add3A_134, %dma_start3A_135, %dma_start3A_136] : memref<64x8x64xf32, #tpu.memory_space<vmem>> -> memref<1x1x64xf32, #tpu.memory_space<vmem>>
      %dma_start3A_138 = tpu.memref_squeeze %dma_start3A_137 : memref<1x1x64xf32, #tpu.memory_space<vmem>> -> memref<64xf32, #tpu.memory_space<vmem>>
      %dma_start3A_139 = arith.constant 0 : i32
      %dma_start3A_140 = tpu.memref_slice %arg2[%squeeze3A_128, %squeeze3A_130, %dma_start3A_139] : memref<125000x8x64xf32, #tpu.memory_space<hbm>> -> memref<1x1x64xf32, #tpu.memory_space<hbm>>
      %dma_start3A_141 = tpu.memref_squeeze %dma_start3A_140 : memref<1x1x64xf32, #tpu.memory_space<hbm>> -> memref<64xf32, #tpu.memory_space<hbm>>
      %dma_start3A_142 = arith.constant 0 : i32
      %dma_start3A_143 = tpu.memref_slice %arg6[%add3A_134, %dma_start3A_135, %dma_start3A_142] : memref<64x8x64xf32, #tpu.memory_space<vmem>> -> memref<1x1x64xf32, #tpu.memory_space<vmem>>
      %dma_start3A_144 = tpu.memref_squeeze %dma_start3A_143 : memref<1x1x64xf32, #tpu.memory_space<vmem>> -> memref<64xf32, #tpu.memory_space<vmem>>
      %dma_start3A_145 = arith.constant 0 : i32
      %dma_start3A_146 = tpu.memref_slice %arg2[%squeeze3A_128, %squeeze3A_130, %dma_start3A_145] : memref<125000x8x64xf32, #tpu.memory_space<hbm>> -> memref<1x1x64xf32, #tpu.memory_space<hbm>>
      %dma_start3A_147 = tpu.memref_squeeze %dma_start3A_146 : memref<1x1x64xf32, #tpu.memory_space<hbm>> -> memref<64xf32, #tpu.memory_space<hbm>>
      tpu.enqueue_dma source(%dma_start3A_147 : memref<64xf32, #tpu.memory_space<hbm>>) target(%dma_start3A_144 : memref<64xf32, #tpu.memory_space<vmem>>) target_semaphore(%arg7 : memref<!tpu.dma_semaphore, #tpu.memory_space<semaphore_mem>>)
      %slice3A_148 = vector.extract_strided_slice %shift_right_logical3A_22 {offsets = [6], sizes = [1], strides = [1]} : vector<16xi32> to vector<1xi32>
      %squeeze3A_149 = vector.extract %slice3A_148[0] : i32 from vector<1xi32>
      %slice3A_150 = vector.extract_strided_slice %and3A_24 {offsets = [6], sizes = [1], strides = [1]} : vector<16xi32> to vector<1xi32>
      %squeeze3A_151 = vector.extract %slice3A_150[0] : i32 from vector<1xi32>
      %mul3A_152 = arith.constant 2 : i32
      %mul3A_153 = arith.muli %mul3A_152, %scan3A_17 : i32
      %add3A_154 = arith.constant 0 : i32
      %add3A_155 = arith.addi %mul3A_153, %add3A_154 : i32
      %dma_start3A_156 = arith.constant 6 : i32
      %dma_start3A_157 = arith.constant 0 : i32
      %dma_start3A_158 = tpu.memref_slice %arg6[%add3A_155, %dma_start3A_156, %dma_start3A_157] : memref<64x8x64xf32, #tpu.memory_space<vmem>> -> memref<1x1x64xf32, #tpu.memory_space<vmem>>
      %dma_start3A_159 = tpu.memref_squeeze %dma_start3A_158 : memref<1x1x64xf32, #tpu.memory_space<vmem>> -> memref<64xf32, #tpu.memory_space<vmem>>
      %dma_start3A_160 = arith.constant 0 : i32
      %dma_start3A_161 = tpu.memref_slice %arg2[%squeeze3A_149, %squeeze3A_151, %dma_start3A_160] : memref<125000x8x64xf32, #tpu.memory_space<hbm>> -> memref<1x1x64xf32, #tpu.memory_space<hbm>>
      %dma_start3A_162 = tpu.memref_squeeze %dma_start3A_161 : memref<1x1x64xf32, #tpu.memory_space<hbm>> -> memref<64xf32, #tpu.memory_space<hbm>>
      %dma_start3A_163 = arith.constant 0 : i32
      %dma_start3A_164 = tpu.memref_slice %arg6[%add3A_155, %dma_start3A_156, %dma_start3A_163] : memref<64x8x64xf32, #tpu.memory_space<vmem>> -> memref<1x1x64xf32, #tpu.memory_space<vmem>>
      %dma_start3A_165 = tpu.memref_squeeze %dma_start3A_164 : memref<1x1x64xf32, #tpu.memory_space<vmem>> -> memref<64xf32, #tpu.memory_space<vmem>>
      %dma_start3A_166 = arith.constant 0 : i32
      %dma_start3A_167 = tpu.memref_slice %arg2[%squeeze3A_149, %squeeze3A_151, %dma_start3A_166] : memref<125000x8x64xf32, #tpu.memory_space<hbm>> -> memref<1x1x64xf32, #tpu.memory_space<hbm>>
      %dma_start3A_168 = tpu.memref_squeeze %dma_start3A_167 : memref<1x1x64xf32, #tpu.memory_space<hbm>> -> memref<64xf32, #tpu.memory_space<hbm>>
      tpu.enqueue_dma source(%dma_start3A_168 : memref<64xf32, #tpu.memory_space<hbm>>) target(%dma_start3A_165 : memref<64xf32, #tpu.memory_space<vmem>>) target_semaphore(%arg7 : memref<!tpu.dma_semaphore, #tpu.memory_space<semaphore_mem>>)
      %slice3A_169 = vector.extract_strided_slice %shift_right_logical3A_22 {offsets = [7], sizes = [1], strides = [1]} : vector<16xi32> to vector<1xi32>
      %squeeze3A_170 = vector.extract %slice3A_169[0] : i32 from vector<1xi32>
      %slice3A_171 = vector.extract_strided_slice %and3A_24 {offsets = [7], sizes = [1], strides = [1]} : vector<16xi32> to vector<1xi32>
      %squeeze3A_172 = vector.extract %slice3A_171[0] : i32 from vector<1xi32>
      %mul3A_173 = arith.constant 2 : i32
      %mul3A_174 = arith.muli %mul3A_173, %scan3A_17 : i32
      %add3A_175 = arith.constant 0 : i32
      %add3A_176 = arith.addi %mul3A_174, %add3A_175 : i32
      %dma_start3A_177 = arith.constant 7 : i32
      %dma_start3A_178 = arith.constant 0 : i32
      %dma_start3A_179 = tpu.memref_slice %arg6[%add3A_176, %dma_start3A_177, %dma_start3A_178] : memref<64x8x64xf32, #tpu.memory_space<vmem>> -> memref<1x1x64xf32, #tpu.memory_space<vmem>>
      %dma_start3A_180 = tpu.memref_squeeze %dma_start3A_179 : memref<1x1x64xf32, #tpu.memory_space<vmem>> -> memref<64xf32, #tpu.memory_space<vmem>>
      %dma_start3A_181 = arith.constant 0 : i32
      %dma_start3A_182 = tpu.memref_slice %arg2[%squeeze3A_170, %squeeze3A_172, %dma_start3A_181] : memref<125000x8x64xf32, #tpu.memory_space<hbm>> -> memref<1x1x64xf32, #tpu.memory_space<hbm>>
      %dma_start3A_183 = tpu.memref_squeeze %dma_start3A_182 : memref<1x1x64xf32, #tpu.memory_space<hbm>> -> memref<64xf32, #tpu.memory_space<hbm>>
      %dma_start3A_184 = arith.constant 0 : i32
      %dma_start3A_185 = tpu.memref_slice %arg6[%add3A_176, %dma_start3A_177, %dma_start3A_184] : memref<64x8x64xf32, #tpu.memory_space<vmem>> -> memref<1x1x64xf32, #tpu.memory_space<vmem>>
      %dma_start3A_186 = tpu.memref_squeeze %dma_start3A_185 : memref<1x1x64xf32, #tpu.memory_space<vmem>> -> memref<64xf32, #tpu.memory_space<vmem>>
      %dma_start3A_187 = arith.constant 0 : i32
      %dma_start3A_188 = tpu.memref_slice %arg2[%squeeze3A_170, %squeeze3A_172, %dma_start3A_187] : memref<125000x8x64xf32, #tpu.memory_space<hbm>> -> memref<1x1x64xf32, #tpu.memory_space<hbm>>
      %dma_start3A_189 = tpu.memref_squeeze %dma_start3A_188 : memref<1x1x64xf32, #tpu.memory_space<hbm>> -> memref<64xf32, #tpu.memory_space<hbm>>
      tpu.enqueue_dma source(%dma_start3A_189 : memref<64xf32, #tpu.memory_space<hbm>>) target(%dma_start3A_186 : memref<64xf32, #tpu.memory_space<vmem>>) target_semaphore(%arg7 : memref<!tpu.dma_semaphore, #tpu.memory_space<semaphore_mem>>)
      %slice3A_190 = vector.extract_strided_slice %shift_right_logical3A_22 {offsets = [8], sizes = [1], strides = [1]} : vector<16xi32> to vector<1xi32>
      %squeeze3A_191 = vector.extract %slice3A_190[0] : i32 from vector<1xi32>
      %slice3A_192 = vector.extract_strided_slice %and3A_24 {offsets = [8], sizes = [1], strides = [1]} : vector<16xi32> to vector<1xi32>
      %squeeze3A_193 = vector.extract %slice3A_192[0] : i32 from vector<1xi32>
      %mul3A_194 = arith.constant 2 : i32
      %mul3A_195 = arith.muli %mul3A_194, %scan3A_17 : i32
      %add3A_196 = arith.constant 1 : i32
      %add3A_197 = arith.addi %mul3A_195, %add3A_196 : i32
      %dma_start3A_198 = arith.constant 0 : i32
      %dma_start3A_199 = arith.constant 0 : i32
      %dma_start3A_200 = tpu.memref_slice %arg6[%add3A_197, %dma_start3A_198, %dma_start3A_199] : memref<64x8x64xf32, #tpu.memory_space<vmem>> -> memref<1x1x64xf32, #tpu.memory_space<vmem>>
      %dma_start3A_201 = tpu.memref_squeeze %dma_start3A_200 : memref<1x1x64xf32, #tpu.memory_space<vmem>> -> memref<64xf32, #tpu.memory_space<vmem>>
      %dma_start3A_202 = arith.constant 0 : i32
      %dma_start3A_203 = tpu.memref_slice %arg2[%squeeze3A_191, %squeeze3A_193, %dma_start3A_202] : memref<125000x8x64xf32, #tpu.memory_space<hbm>> -> memref<1x1x64xf32, #tpu.memory_space<hbm>>
      %dma_start3A_204 = tpu.memref_squeeze %dma_start3A_203 : memref<1x1x64xf32, #tpu.memory_space<hbm>> -> memref<64xf32, #tpu.memory_space<hbm>>
      %dma_start3A_205 = arith.constant 0 : i32
      %dma_start3A_206 = tpu.memref_slice %arg6[%add3A_197, %dma_start3A_198, %dma_start3A_205] : memref<64x8x64xf32, #tpu.memory_space<vmem>> -> memref<1x1x64xf32, #tpu.memory_space<vmem>>
      %dma_start3A_207 = tpu.memref_squeeze %dma_start3A_206 : memref<1x1x64xf32, #tpu.memory_space<vmem>> -> memref<64xf32, #tpu.memory_space<vmem>>
      %dma_start3A_208 = arith.constant 0 : i32
      %dma_start3A_209 = tpu.memref_slice %arg2[%squeeze3A_191, %squeeze3A_193, %dma_start3A_208] : memref<125000x8x64xf32, #tpu.memory_space<hbm>> -> memref<1x1x64xf32, #tpu.memory_space<hbm>>
      %dma_start3A_210 = tpu.memref_squeeze %dma_start3A_209 : memref<1x1x64xf32, #tpu.memory_space<hbm>> -> memref<64xf32, #tpu.memory_space<hbm>>
      tpu.enqueue_dma source(%dma_start3A_210 : memref<64xf32, #tpu.memory_space<hbm>>) target(%dma_start3A_207 : memref<64xf32, #tpu.memory_space<vmem>>) target_semaphore(%arg7 : memref<!tpu.dma_semaphore, #tpu.memory_space<semaphore_mem>>)
      %slice3A_211 = vector.extract_strided_slice %shift_right_logical3A_22 {offsets = [9], sizes = [1], strides = [1]} : vector<16xi32> to vector<1xi32>
      %squeeze3A_212 = vector.extract %slice3A_211[0] : i32 from vector<1xi32>
      %slice3A_213 = vector.extract_strided_slice %and3A_24 {offsets = [9], sizes = [1], strides = [1]} : vector<16xi32> to vector<1xi32>
      %squeeze3A_214 = vector.extract %slice3A_213[0] : i32 from vector<1xi32>
      %mul3A_215 = arith.constant 2 : i32
      %mul3A_216 = arith.muli %mul3A_215, %scan3A_17 : i32
      %add3A_217 = arith.constant 1 : i32
      %add3A_218 = arith.addi %mul3A_216, %add3A_217 : i32
      %dma_start3A_219 = arith.constant 1 : i32
      %dma_start3A_220 = arith.constant 0 : i32
      %dma_start3A_221 = tpu.memref_slice %arg6[%add3A_218, %dma_start3A_219, %dma_start3A_220] : memref<64x8x64xf32, #tpu.memory_space<vmem>> -> memref<1x1x64xf32, #tpu.memory_space<vmem>>
      %dma_start3A_222 = tpu.memref_squeeze %dma_start3A_221 : memref<1x1x64xf32, #tpu.memory_space<vmem>> -> memref<64xf32, #tpu.memory_space<vmem>>
      %dma_start3A_223 = arith.constant 0 : i32
      %dma_start3A_224 = tpu.memref_slice %arg2[%squeeze3A_212, %squeeze3A_214, %dma_start3A_223] : memref<125000x8x64xf32, #tpu.memory_space<hbm>> -> memref<1x1x64xf32, #tpu.memory_space<hbm>>
      %dma_start3A_225 = tpu.memref_squeeze %dma_start3A_224 : memref<1x1x64xf32, #tpu.memory_space<hbm>> -> memref<64xf32, #tpu.memory_space<hbm>>
      %dma_start3A_226 = arith.constant 0 : i32
      %dma_start3A_227 = tpu.memref_slice %arg6[%add3A_218, %dma_start3A_219, %dma_start3A_226] : memref<64x8x64xf32, #tpu.memory_space<vmem>> -> memref<1x1x64xf32, #tpu.memory_space<vmem>>
      %dma_start3A_228 = tpu.memref_squeeze %dma_start3A_227 : memref<1x1x64xf32, #tpu.memory_space<vmem>> -> memref<64xf32, #tpu.memory_space<vmem>>
      %dma_start3A_229 = arith.constant 0 : i32
      %dma_start3A_230 = tpu.memref_slice %arg2[%squeeze3A_212, %squeeze3A_214, %dma_start3A_229] : memref<125000x8x64xf32, #tpu.memory_space<hbm>> -> memref<1x1x64xf32, #tpu.memory_space<hbm>>
      %dma_start3A_231 = tpu.memref_squeeze %dma_start3A_230 : memref<1x1x64xf32, #tpu.memory_space<hbm>> -> memref<64xf32, #tpu.memory_space<hbm>>
      tpu.enqueue_dma source(%dma_start3A_231 : memref<64xf32, #tpu.memory_space<hbm>>) target(%dma_start3A_228 : memref<64xf32, #tpu.memory_space<vmem>>) target_semaphore(%arg7 : memref<!tpu.dma_semaphore, #tpu.memory_space<semaphore_mem>>)
      %slice3A_232 = vector.extract_strided_slice %shift_right_logical3A_22 {offsets = [10], sizes = [1], strides = [1]} : vector<16xi32> to vector<1xi32>
      %squeeze3A_233 = vector.extract %slice3A_232[0] : i32 from vector<1xi32>
      %slice3A_234 = vector.extract_strided_slice %and3A_24 {offsets = [10], sizes = [1], strides = [1]} : vector<16xi32> to vector<1xi32>
      %squeeze3A_235 = vector.extract %slice3A_234[0] : i32 from vector<1xi32>
      %mul3A_236 = arith.constant 2 : i32
      %mul3A_237 = arith.muli %mul3A_236, %scan3A_17 : i32
      %add3A_238 = arith.constant 1 : i32
      %add3A_239 = arith.addi %mul3A_237, %add3A_238 : i32
      %dma_start3A_240 = arith.constant 2 : i32
      %dma_start3A_241 = arith.constant 0 : i32
      %dma_start3A_242 = tpu.memref_slice %arg6[%add3A_239, %dma_start3A_240, %dma_start3A_241] : memref<64x8x64xf32, #tpu.memory_space<vmem>> -> memref<1x1x64xf32, #tpu.memory_space<vmem>>
      %dma_start3A_243 = tpu.memref_squeeze %dma_start3A_242 : memref<1x1x64xf32, #tpu.memory_space<vmem>> -> memref<64xf32, #tpu.memory_space<vmem>>
      %dma_start3A_244 = arith.constant 0 : i32
      %dma_start3A_245 = tpu.memref_slice %arg2[%squeeze3A_233, %squeeze3A_235, %dma_start3A_244] : memref<125000x8x64xf32, #tpu.memory_space<hbm>> -> memref<1x1x64xf32, #tpu.memory_space<hbm>>
      %dma_start3A_246 = tpu.memref_squeeze %dma_start3A_245 : memref<1x1x64xf32, #tpu.memory_space<hbm>> -> memref<64xf32, #tpu.memory_space<hbm>>
      %dma_start3A_247 = arith.constant 0 : i32
      %dma_start3A_248 = tpu.memref_slice %arg6[%add3A_239, %dma_start3A_240, %dma_start3A_247] : memref<64x8x64xf32, #tpu.memory_space<vmem>> -> memref<1x1x64xf32, #tpu.memory_space<vmem>>
      %dma_start3A_249 = tpu.memref_squeeze %dma_start3A_248 : memref<1x1x64xf32, #tpu.memory_space<vmem>> -> memref<64xf32, #tpu.memory_space<vmem>>
      %dma_start3A_250 = arith.constant 0 : i32
      %dma_start3A_251 = tpu.memref_slice %arg2[%squeeze3A_233, %squeeze3A_235, %dma_start3A_250] : memref<125000x8x64xf32, #tpu.memory_space<hbm>> -> memref<1x1x64xf32, #tpu.memory_space<hbm>>
      %dma_start3A_252 = tpu.memref_squeeze %dma_start3A_251 : memref<1x1x64xf32, #tpu.memory_space<hbm>> -> memref<64xf32, #tpu.memory_space<hbm>>
      tpu.enqueue_dma source(%dma_start3A_252 : memref<64xf32, #tpu.memory_space<hbm>>) target(%dma_start3A_249 : memref<64xf32, #tpu.memory_space<vmem>>) target_semaphore(%arg7 : memref<!tpu.dma_semaphore, #tpu.memory_space<semaphore_mem>>)
      %slice3A_253 = vector.extract_strided_slice %shift_right_logical3A_22 {offsets = [11], sizes = [1], strides = [1]} : vector<16xi32> to vector<1xi32>
      %squeeze3A_254 = vector.extract %slice3A_253[0] : i32 from vector<1xi32>
      %slice3A_255 = vector.extract_strided_slice %and3A_24 {offsets = [11], sizes = [1], strides = [1]} : vector<16xi32> to vector<1xi32>
      %squeeze3A_256 = vector.extract %slice3A_255[0] : i32 from vector<1xi32>
      %mul3A_257 = arith.constant 2 : i32
      %mul3A_258 = arith.muli %mul3A_257, %scan3A_17 : i32
      %add3A_259 = arith.constant 1 : i32
      %add3A_260 = arith.addi %mul3A_258, %add3A_259 : i32
      %dma_start3A_261 = arith.constant 3 : i32
      %dma_start3A_262 = arith.constant 0 : i32
      %dma_start3A_263 = tpu.memref_slice %arg6[%add3A_260, %dma_start3A_261, %dma_start3A_262] : memref<64x8x64xf32, #tpu.memory_space<vmem>> -> memref<1x1x64xf32, #tpu.memory_space<vmem>>
      %dma_start3A_264 = tpu.memref_squeeze %dma_start3A_263 : memref<1x1x64xf32, #tpu.memory_space<vmem>> -> memref<64xf32, #tpu.memory_space<vmem>>
      %dma_start3A_265 = arith.constant 0 : i32
      %dma_start3A_266 = tpu.memref_slice %arg2[%squeeze3A_254, %squeeze3A_256, %dma_start3A_265] : memref<125000x8x64xf32, #tpu.memory_space<hbm>> -> memref<1x1x64xf32, #tpu.memory_space<hbm>>
      %dma_start3A_267 = tpu.memref_squeeze %dma_start3A_266 : memref<1x1x64xf32, #tpu.memory_space<hbm>> -> memref<64xf32, #tpu.memory_space<hbm>>
      %dma_start3A_268 = arith.constant 0 : i32
      %dma_start3A_269 = tpu.memref_slice %arg6[%add3A_260, %dma_start3A_261, %dma_start3A_268] : memref<64x8x64xf32, #tpu.memory_space<vmem>> -> memref<1x1x64xf32, #tpu.memory_space<vmem>>
      %dma_start3A_270 = tpu.memref_squeeze %dma_start3A_269 : memref<1x1x64xf32, #tpu.memory_space<vmem>> -> memref<64xf32, #tpu.memory_space<vmem>>
      %dma_start3A_271 = arith.constant 0 : i32
      %dma_start3A_272 = tpu.memref_slice %arg2[%squeeze3A_254, %squeeze3A_256, %dma_start3A_271] : memref<125000x8x64xf32, #tpu.memory_space<hbm>> -> memref<1x1x64xf32, #tpu.memory_space<hbm>>
      %dma_start3A_273 = tpu.memref_squeeze %dma_start3A_272 : memref<1x1x64xf32, #tpu.memory_space<hbm>> -> memref<64xf32, #tpu.memory_space<hbm>>
      tpu.enqueue_dma source(%dma_start3A_273 : memref<64xf32, #tpu.memory_space<hbm>>) target(%dma_start3A_270 : memref<64xf32, #tpu.memory_space<vmem>>) target_semaphore(%arg7 : memref<!tpu.dma_semaphore, #tpu.memory_space<semaphore_mem>>)
      %slice3A_274 = vector.extract_strided_slice %shift_right_logical3A_22 {offsets = [12], sizes = [1], strides = [1]} : vector<16xi32> to vector<1xi32>
      %squeeze3A_275 = vector.extract %slice3A_274[0] : i32 from vector<1xi32>
      %slice3A_276 = vector.extract_strided_slice %and3A_24 {offsets = [12], sizes = [1], strides = [1]} : vector<16xi32> to vector<1xi32>
      %squeeze3A_277 = vector.extract %slice3A_276[0] : i32 from vector<1xi32>
      %mul3A_278 = arith.constant 2 : i32
      %mul3A_279 = arith.muli %mul3A_278, %scan3A_17 : i32
      %add3A_280 = arith.constant 1 : i32
      %add3A_281 = arith.addi %mul3A_279, %add3A_280 : i32
      %dma_start3A_282 = arith.constant 4 : i32
      %dma_start3A_283 = arith.constant 0 : i32
      %dma_start3A_284 = tpu.memref_slice %arg6[%add3A_281, %dma_start3A_282, %dma_start3A_283] : memref<64x8x64xf32, #tpu.memory_space<vmem>> -> memref<1x1x64xf32, #tpu.memory_space<vmem>>
      %dma_start3A_285 = tpu.memref_squeeze %dma_start3A_284 : memref<1x1x64xf32, #tpu.memory_space<vmem>> -> memref<64xf32, #tpu.memory_space<vmem>>
      %dma_start3A_286 = arith.constant 0 : i32
      %dma_start3A_287 = tpu.memref_slice %arg2[%squeeze3A_275, %squeeze3A_277, %dma_start3A_286] : memref<125000x8x64xf32, #tpu.memory_space<hbm>> -> memref<1x1x64xf32, #tpu.memory_space<hbm>>
      %dma_start3A_288 = tpu.memref_squeeze %dma_start3A_287 : memref<1x1x64xf32, #tpu.memory_space<hbm>> -> memref<64xf32, #tpu.memory_space<hbm>>
      %dma_start3A_289 = arith.constant 0 : i32
      %dma_start3A_290 = tpu.memref_slice %arg6[%add3A_281, %dma_start3A_282, %dma_start3A_289] : memref<64x8x64xf32, #tpu.memory_space<vmem>> -> memref<1x1x64xf32, #tpu.memory_space<vmem>>
      %dma_start3A_291 = tpu.memref_squeeze %dma_start3A_290 : memref<1x1x64xf32, #tpu.memory_space<vmem>> -> memref<64xf32, #tpu.memory_space<vmem>>
      %dma_start3A_292 = arith.constant 0 : i32
      %dma_start3A_293 = tpu.memref_slice %arg2[%squeeze3A_275, %squeeze3A_277, %dma_start3A_292] : memref<125000x8x64xf32, #tpu.memory_space<hbm>> -> memref<1x1x64xf32, #tpu.memory_space<hbm>>
      %dma_start3A_294 = tpu.memref_squeeze %dma_start3A_293 : memref<1x1x64xf32, #tpu.memory_space<hbm>> -> memref<64xf32, #tpu.memory_space<hbm>>
      tpu.enqueue_dma source(%dma_start3A_294 : memref<64xf32, #tpu.memory_space<hbm>>) target(%dma_start3A_291 : memref<64xf32, #tpu.memory_space<vmem>>) target_semaphore(%arg7 : memref<!tpu.dma_semaphore, #tpu.memory_space<semaphore_mem>>)
      %slice3A_295 = vector.extract_strided_slice %shift_right_logical3A_22 {offsets = [13], sizes = [1], strides = [1]} : vector<16xi32> to vector<1xi32>
      %squeeze3A_296 = vector.extract %slice3A_295[0] : i32 from vector<1xi32>
      %slice3A_297 = vector.extract_strided_slice %and3A_24 {offsets = [13], sizes = [1], strides = [1]} : vector<16xi32> to vector<1xi32>
      %squeeze3A_298 = vector.extract %slice3A_297[0] : i32 from vector<1xi32>
      %mul3A_299 = arith.constant 2 : i32
      %mul3A_300 = arith.muli %mul3A_299, %scan3A_17 : i32
      %add3A_301 = arith.constant 1 : i32
      %add3A_302 = arith.addi %mul3A_300, %add3A_301 : i32
      %dma_start3A_303 = arith.constant 5 : i32
      %dma_start3A_304 = arith.constant 0 : i32
      %dma_start3A_305 = tpu.memref_slice %arg6[%add3A_302, %dma_start3A_303, %dma_start3A_304] : memref<64x8x64xf32, #tpu.memory_space<vmem>> -> memref<1x1x64xf32, #tpu.memory_space<vmem>>
      %dma_start3A_306 = tpu.memref_squeeze %dma_start3A_305 : memref<1x1x64xf32, #tpu.memory_space<vmem>> -> memref<64xf32, #tpu.memory_space<vmem>>
      %dma_start3A_307 = arith.constant 0 : i32
      %dma_start3A_308 = tpu.memref_slice %arg2[%squeeze3A_296, %squeeze3A_298, %dma_start3A_307] : memref<125000x8x64xf32, #tpu.memory_space<hbm>> -> memref<1x1x64xf32, #tpu.memory_space<hbm>>
      %dma_start3A_309 = tpu.memref_squeeze %dma_start3A_308 : memref<1x1x64xf32, #tpu.memory_space<hbm>> -> memref<64xf32, #tpu.memory_space<hbm>>
      %dma_start3A_310 = arith.constant 0 : i32
      %dma_start3A_311 = tpu.memref_slice %arg6[%add3A_302, %dma_start3A_303, %dma_start3A_310] : memref<64x8x64xf32, #tpu.memory_space<vmem>> -> memref<1x1x64xf32, #tpu.memory_space<vmem>>
      %dma_start3A_312 = tpu.memref_squeeze %dma_start3A_311 : memref<1x1x64xf32, #tpu.memory_space<vmem>> -> memref<64xf32, #tpu.memory_space<vmem>>
      %dma_start3A_313 = arith.constant 0 : i32
      %dma_start3A_314 = tpu.memref_slice %arg2[%squeeze3A_296, %squeeze3A_298, %dma_start3A_313] : memref<125000x8x64xf32, #tpu.memory_space<hbm>> -> memref<1x1x64xf32, #tpu.memory_space<hbm>>
      %dma_start3A_315 = tpu.memref_squeeze %dma_start3A_314 : memref<1x1x64xf32, #tpu.memory_space<hbm>> -> memref<64xf32, #tpu.memory_space<hbm>>
      tpu.enqueue_dma source(%dma_start3A_315 : memref<64xf32, #tpu.memory_space<hbm>>) target(%dma_start3A_312 : memref<64xf32, #tpu.memory_space<vmem>>) target_semaphore(%arg7 : memref<!tpu.dma_semaphore, #tpu.memory_space<semaphore_mem>>)
      %slice3A_316 = vector.extract_strided_slice %shift_right_logical3A_22 {offsets = [14], sizes = [1], strides = [1]} : vector<16xi32> to vector<1xi32>
      %squeeze3A_317 = vector.extract %slice3A_316[0] : i32 from vector<1xi32>
      %slice3A_318 = vector.extract_strided_slice %and3A_24 {offsets = [14], sizes = [1], strides = [1]} : vector<16xi32> to vector<1xi32>
      %squeeze3A_319 = vector.extract %slice3A_318[0] : i32 from vector<1xi32>
      %mul3A_320 = arith.constant 2 : i32
      %mul3A_321 = arith.muli %mul3A_320, %scan3A_17 : i32
      %add3A_322 = arith.constant 1 : i32
      %add3A_323 = arith.addi %mul3A_321, %add3A_322 : i32
      %dma_start3A_324 = arith.constant 6 : i32
      %dma_start3A_325 = arith.constant 0 : i32
      %dma_start3A_326 = tpu.memref_slice %arg6[%add3A_323, %dma_start3A_324, %dma_start3A_325] : memref<64x8x64xf32, #tpu.memory_space<vmem>> -> memref<1x1x64xf32, #tpu.memory_space<vmem>>
      %dma_start3A_327 = tpu.memref_squeeze %dma_start3A_326 : memref<1x1x64xf32, #tpu.memory_space<vmem>> -> memref<64xf32, #tpu.memory_space<vmem>>
      %dma_start3A_328 = arith.constant 0 : i32
      %dma_start3A_329 = tpu.memref_slice %arg2[%squeeze3A_317, %squeeze3A_319, %dma_start3A_328] : memref<125000x8x64xf32, #tpu.memory_space<hbm>> -> memref<1x1x64xf32, #tpu.memory_space<hbm>>
      %dma_start3A_330 = tpu.memref_squeeze %dma_start3A_329 : memref<1x1x64xf32, #tpu.memory_space<hbm>> -> memref<64xf32, #tpu.memory_space<hbm>>
      %dma_start3A_331 = arith.constant 0 : i32
      %dma_start3A_332 = tpu.memref_slice %arg6[%add3A_323, %dma_start3A_324, %dma_start3A_331] : memref<64x8x64xf32, #tpu.memory_space<vmem>> -> memref<1x1x64xf32, #tpu.memory_space<vmem>>
      %dma_start3A_333 = tpu.memref_squeeze %dma_start3A_332 : memref<1x1x64xf32, #tpu.memory_space<vmem>> -> memref<64xf32, #tpu.memory_space<vmem>>
      %dma_start3A_334 = arith.constant 0 : i32
      %dma_start3A_335 = tpu.memref_slice %arg2[%squeeze3A_317, %squeeze3A_319, %dma_start3A_334] : memref<125000x8x64xf32, #tpu.memory_space<hbm>> -> memref<1x1x64xf32, #tpu.memory_space<hbm>>
      %dma_start3A_336 = tpu.memref_squeeze %dma_start3A_335 : memref<1x1x64xf32, #tpu.memory_space<hbm>> -> memref<64xf32, #tpu.memory_space<hbm>>
      tpu.enqueue_dma source(%dma_start3A_336 : memref<64xf32, #tpu.memory_space<hbm>>) target(%dma_start3A_333 : memref<64xf32, #tpu.memory_space<vmem>>) target_semaphore(%arg7 : memref<!tpu.dma_semaphore, #tpu.memory_space<semaphore_mem>>)
      %slice3A_337 = vector.extract_strided_slice %shift_right_logical3A_22 {offsets = [15], sizes = [1], strides = [1]} : vector<16xi32> to vector<1xi32>
      %squeeze3A_338 = vector.extract %slice3A_337[0] : i32 from vector<1xi32>
      %slice3A_339 = vector.extract_strided_slice %and3A_24 {offsets = [15], sizes = [1], strides = [1]} : vector<16xi32> to vector<1xi32>
      %squeeze3A_340 = vector.extract %slice3A_339[0] : i32 from vector<1xi32>
      %mul3A_341 = arith.constant 2 : i32
      %mul3A_342 = arith.muli %mul3A_341, %scan3A_17 : i32
      %add3A_343 = arith.constant 1 : i32
      %add3A_344 = arith.addi %mul3A_342, %add3A_343 : i32
      %dma_start3A_345 = arith.constant 7 : i32
      %dma_start3A_346 = arith.constant 0 : i32
      %dma_start3A_347 = tpu.memref_slice %arg6[%add3A_344, %dma_start3A_345, %dma_start3A_346] : memref<64x8x64xf32, #tpu.memory_space<vmem>> -> memref<1x1x64xf32, #tpu.memory_space<vmem>>
      %dma_start3A_348 = tpu.memref_squeeze %dma_start3A_347 : memref<1x1x64xf32, #tpu.memory_space<vmem>> -> memref<64xf32, #tpu.memory_space<vmem>>
      %dma_start3A_349 = arith.constant 0 : i32
      %dma_start3A_350 = tpu.memref_slice %arg2[%squeeze3A_338, %squeeze3A_340, %dma_start3A_349] : memref<125000x8x64xf32, #tpu.memory_space<hbm>> -> memref<1x1x64xf32, #tpu.memory_space<hbm>>
      %dma_start3A_351 = tpu.memref_squeeze %dma_start3A_350 : memref<1x1x64xf32, #tpu.memory_space<hbm>> -> memref<64xf32, #tpu.memory_space<hbm>>
      %dma_start3A_352 = arith.constant 0 : i32
      %dma_start3A_353 = tpu.memref_slice %arg6[%add3A_344, %dma_start3A_345, %dma_start3A_352] : memref<64x8x64xf32, #tpu.memory_space<vmem>> -> memref<1x1x64xf32, #tpu.memory_space<vmem>>
      %dma_start3A_354 = tpu.memref_squeeze %dma_start3A_353 : memref<1x1x64xf32, #tpu.memory_space<vmem>> -> memref<64xf32, #tpu.memory_space<vmem>>
      %dma_start3A_355 = arith.constant 0 : i32
      %dma_start3A_356 = tpu.memref_slice %arg2[%squeeze3A_338, %squeeze3A_340, %dma_start3A_355] : memref<125000x8x64xf32, #tpu.memory_space<hbm>> -> memref<1x1x64xf32, #tpu.memory_space<hbm>>
      %dma_start3A_357 = tpu.memref_squeeze %dma_start3A_356 : memref<1x1x64xf32, #tpu.memory_space<hbm>> -> memref<64xf32, #tpu.memory_space<hbm>>
      tpu.enqueue_dma source(%dma_start3A_357 : memref<64xf32, #tpu.memory_space<hbm>>) target(%dma_start3A_354 : memref<64xf32, #tpu.memory_space<vmem>>) target_semaphore(%arg7 : memref<!tpu.dma_semaphore, #tpu.memory_space<semaphore_mem>>)
    }
    %scan3A_5 = arith.constant 32 : i32
    %dma_wait3A = arith.constant 0 : i32
    %dma_wait3A_6 = arith.constant 0 : i32
    %dma_wait3A_7 = arith.constant 0 : i32
    %dma_wait3A_8 = tpu.memref_slice %arg2[%dma_wait3A, %dma_wait3A_6, %dma_wait3A_7] : memref<125000x8x64xf32, #tpu.memory_space<hbm>> -> memref<64x8x64xf32, #tpu.memory_space<hbm>>
    %dma_wait3A_9 = arith.constant 0 : i32
    %dma_wait3A_10 = arith.constant 0 : i32
    %dma_wait3A_11 = arith.constant 0 : i32
    %dma_wait3A_12 = tpu.memref_slice %arg2[%dma_wait3A_9, %dma_wait3A_10, %dma_wait3A_11] : memref<125000x8x64xf32, #tpu.memory_space<hbm>> -> memref<64x8x64xf32, #tpu.memory_space<hbm>>
    tpu.wait_dma2 semaphore(%arg7 : memref<!tpu.dma_semaphore, #tpu.memory_space<semaphore_mem>>) src(%dma_wait3A_12 : memref<64x8x64xf32, #tpu.memory_space<hbm>>) dst(%arg6 : memref<64x8x64xf32, #tpu.memory_space<vmem>>)
    %mul3A_13 = arith.constant 2 : i32
    %mul3A_14 = arith.muli %add3A, %mul3A_13 : i32
    %mul3A_15 = arith.constant 32 : i32
    %mul3A_16 = arith.muli %mul3A_14, %mul3A_15 : i32
    "tpu.region"() ({
      %run_scoped3A = tpu.sem_alloc : memref<!tpu.dma_semaphore, #tpu.memory_space<semaphore_mem>>
      %dma_start3A = arith.constant 0 : i32
      %dma_start3A_17 = arith.constant 0 : i32
      %dma_start3A_18 = tpu.memref_slice %arg4[%mul3A_16, %dma_start3A, %dma_start3A_17] : memref<2048x8x64xf32, #tpu.memory_space<hbm>> -> memref<64x8x64xf32, #tpu.memory_space<hbm>>
      %dma_start3A_19 = arith.constant 0 : i32
      %dma_start3A_20 = arith.constant 0 : i32
      %dma_start3A_21 = tpu.memref_slice %arg4[%mul3A_16, %dma_start3A_19, %dma_start3A_20] : memref<2048x8x64xf32, #tpu.memory_space<hbm>> -> memref<64x8x64xf32, #tpu.memory_space<hbm>>
      tpu.enqueue_dma source(%arg6 : memref<64x8x64xf32, #tpu.memory_space<vmem>>) target(%dma_start3A_21 : memref<64x8x64xf32, #tpu.memory_space<hbm>>) target_semaphore(%run_scoped3A : memref<!tpu.dma_semaphore, #tpu.memory_space<semaphore_mem>>)
      %dma_wait3A_22 = arith.constant 0 : i32
      %dma_wait3A_23 = arith.constant 0 : i32
      %dma_wait3A_24 = tpu.memref_slice %arg4[%mul3A_16, %dma_wait3A_22, %dma_wait3A_23] : memref<2048x8x64xf32, #tpu.memory_space<hbm>> -> memref<64x8x64xf32, #tpu.memory_space<hbm>>
      %dma_wait3A_25 = arith.constant 0 : i32
      %dma_wait3A_26 = arith.constant 0 : i32
      %dma_wait3A_27 = tpu.memref_slice %arg4[%mul3A_16, %dma_wait3A_25, %dma_wait3A_26] : memref<2048x8x64xf32, #tpu.memory_space<hbm>> -> memref<64x8x64xf32, #tpu.memory_space<hbm>>
      tpu.wait_dma2 semaphore(%run_scoped3A : memref<!tpu.dma_semaphore, #tpu.memory_space<semaphore_mem>>) src(%arg6 : memref<64x8x64xf32, #tpu.memory_space<vmem>>) dst(%dma_wait3A_27 : memref<64x8x64xf32, #tpu.memory_space<hbm>>)
      tpu.yield
    }) : () -> ()
    return
  }
}

</mosaic_0001>

<sc_bundles>
// kernel: _embed.3.cloned.1.call-start
scs
__scs_entry_jumppad:
0x0: {  	(pc) =	sbr.rel $0x88, $3  }
0x1: {  	(tag) =	ssettag $0x0;
	lr =	simm.s32 $0x1  }
0x2: {  	[smem:$0x3F9F] =	sst lr;
	_ =	strace $0xD0000000  }
0x3: {  	_ = 	snop  }
0x4: {  	_ = 	snop  }
0x5: {  	_ = 	snop  }
0x6: {  	_ = 	snop  }
0x7: {  	_ = 	snop  }
__scs_overlays_trampoline_lowered:
0x8: {  	[smem:$0x3FAE] =	sst s0  }
0x9: {  	[smem:$0x3FAF] =	sst s1  }
0xa: {  	[smem:$0x3FB0] =	sst s2  }
0xb: {  	[smem:$0x3FB1] =	sst s3  }
0xc: {  	[smem:$0x3FB2] =	sst s4  }
0xd: {  	[smem:$0x3FB3] =	sst s5  }
0xe: {  	[smem:$0x3FB4] =	sst s6  }
0xf: {  	[smem:$0x3FB5] =	sst s7  }
0x10: {  	[smem:$0x3FB6] =	sst s8  }
0x11: {  	[smem:$0x3FB7] =	sst s9;
	s0 =	simm.s32 @!p0 $0x0  }
0x12: {  	s1 =	sld [smem:$0x3F9D];
	s0 =	simm.s32 @p0 $0x1  }
0x13: {  	[smem:$0x3FB8] =	sst s0;
	s0 =	simm.s32 @!p1 $0x0  }
0x14: {  	s2 =	sld [smem:$0x3F9C];
	s0 =	simm.s32 @p1 $0x1  }
0x15: {  	[smem:$0x3FB9] =	sst s0;
	s0 =	simm.s32 @!p2 $0x0  }
0x16: {  	s3 =	sld [smem:$0x3FDB];
	s0 =	simm.s32 @p2 $0x1  }
0x17: {  	s4 =	simm.s32 $0x1BF5;
	[smem:$0x3FBB] =	sst s0  }
0x18: {  	s0 =	sld [smem:$0x3F9E];
	_ =	swait.ge [sflag:s4], $0x0  }
0x19: {  	s7 =	sld [smem:$0x3F9F]  }
0x1a: {  	s8 =	sadd.s32 $0xFFFFE003, lr  }
0x1b: {  	s9 =	sadd.s32 $0xFFFFFEF7, lr;
	s5 =	simm.s32 $0xFFFFFFFF;
	p2 =	slt.u32 s8, $0xFFFFF086  }
0x1c: {  	p1 =	slt.u32 s9, $0xF7A;
	s5 =	simm.s32 @!p2 $0x0  }
0x1d: {  	s5 =	simm.s32 @p1 $0x1;
	p0 =	seq.s32 s7, s2  }
0x1e: {  	s7 =	smul.u32 @!p0 $0xF7A, s2;
	p2 =	seq.s32 @!p0 s5, $0x0  }
0x1f: {  	s9 =	smul.u32 $0xF7A, s1;
	s8 =	simm.s32 @!p0 $0x1BF5;
	p2 =	por !p2, p0  }
0x20: {  	[sflag:s8] =	ssyncset.s32 @!p0 $0xFFFFF086;
	s6 =	sadd.s32 @!p0 s3, s7;
	s7 =	simm.s32 @!p0 $0x108  }
0x21: {  	s3 =	sadd.s32 s3, s9;
	s6 =	sadd.s32 @!p0 $0x88, s6;
	s7 =	simm.s32 @p2 $0x1082  }
0x22: {  	[simem:s7], [sflag:s8] =	dma.local @!p0 [hbm:s6], $0xF7A  }
0x23: {  	s9 =	sor.u32 $0xD0000000, s2;
	s6 =	simm.s32 $0x108;
	_ =	swait.ge @!p0 [sflag:s8], $0x0  }
0x24: {  	s3 =	sadd.s32 $0x88, s3;
	s6 =	simm.s32 @!p1 $0x1082;
	[sflag:s4] =	ssyncset.s32 $0xFFFFF086  }
0x25: {  	[simem:s6], [sflag:s4] =	dma.local [hbm:s3], $0xF7A  }
0x26: {  	[smem:$0x3F9F] =	sst s1;
	(tag) =	ssettag s2;
	_ =	strace s9  }
0x27: {  	s1 =	sld [smem:$0x3FAF]  }
0x28: {  	s2 =	sld [smem:$0x3FB0]  }
0x29: {  	s4 =	sld [smem:$0x3FB2]  }
0x2a: {  	p0 =	seq.s32 s5, $0x0;
	s5 =	sld [smem:$0x3FB3]  }
0x2b: {  	s6 =	sld [smem:$0x3FB4]  }
0x2c: {  	s7 =	sld [smem:$0x3FB5]  }
0x2d: {  	s3 =	simm.s32 $0x108;
	s8 =	sld [smem:$0x3FB6]  }
0x2e: {  	s3 =	simm.s32 @!p0 $0x1082;
	s9 =	sld [smem:$0x3FB7]  }
0x2f: {  	lr =	sadd.s32 s0, s3;
	s0 =	sld [smem:$0x3FAE]  }
0x30: {  	s3 =	sld [smem:$0x3FB1]  }
0x31: {  	[smem:$0x3FBA] =	sst s10  }
0x32: {  	s10 =	sld [smem:$0x3FB8];
	_ =	sdelay $0x3  }
0x33: {  	p0 =	seq.s32 s10, $0x1;
	s10 =	sld [smem:$0x3FBA];
	_ =	sdelay $0x3  }
0x34: {  	[smem:$0x3FBA] =	sst s10  }
0x35: {  	s10 =	sld [smem:$0x3FB9];
	_ =	sdelay $0x3  }
0x36: {  	p1 =	seq.s32 s10, $0x1;
	s10 =	sld [smem:$0x3FBA];
	_ =	sdelay $0x3  }
0x37: {  	[smem:$0x3FBA] =	sst s10  }
0x38: {  	s10 =	sld [smem:$0x3FBB]  }
0x39: {  	_ = 	snop;
	(pc) =	sbr.ind lr, $3  }
0x3a: {  	_ = 	snop  }
0x3b: {  	_ = 	snop  }
0x3c: {  	p2 =	seq.s32 s10, $0x1;
	s10 =	sld [smem:$0x3FBA]  }
0x3d: {  	_ =	shalt  }
0x3e: {  	_ =	shalt  }
0x3f: {  	_ =	shalt  }
0x40: {  	_ =	shalt  }
0x41: {  	_ =	shalt  }
0x42: {  	_ =	shalt  }
0x43: {  	_ =	shalt  }
0x44: {  	_ =	shalt  }
0x45: {  	_ =	shalt  }
0x46: {  	_ =	shalt  }
0x47: {  	_ =	shalt  }
0x48: {  	_ =	shalt  }
0x49: {  	_ =	shalt  }
0x4a: {  	_ =	shalt  }
0x4b: {  	_ =	shalt  }
0x4c: {  	_ =	shalt  }
0x4d: {  	_ =	shalt  }
0x4e: {  	_ =	shalt  }
0x4f: {  	_ =	shalt  }
0x50: {  	_ =	shalt  }
0x51: {  	_ =	shalt  }
0x52: {  	_ =	shalt  }
0x53: {  	_ =	shalt  }
0x54: {  	_ =	shalt  }
0x55: {  	_ =	shalt  }
0x56: {  	_ =	shalt  }
0x57: {  	_ =	shalt  }
0x58: {  	_ =	shalt  }
0x59: {  	_ =	shalt  }
0x5a: {  	_ =	shalt  }
0x5b: {  	_ =	shalt  }
0x5c: {  	_ =	shalt  }
0x5d: {  	_ =	shalt  }
0x5e: {  	_ =	shalt  }
0x5f: {  	_ =	shalt  }
0x60: {  	_ =	shalt  }
0x61: {  	_ =	shalt  }
0x62: {  	_ =	shalt  }
0x63: {  	_ =	shalt  }
0x64: {  	_ =	shalt  }
0x65: {  	_ =	shalt  }
0x66: {  	_ =	shalt  }
0x67: {  	_ =	shalt  }
0x68: {  	_ =	shalt  }
0x69: {  	_ =	shalt  }
0x6a: {  	_ =	shalt  }
0x6b: {  	_ =	shalt  }
0x6c: {  	_ =	shalt  }
0x6d: {  	_ =	shalt  }
0x6e: {  	_ =	shalt  }
0x6f: {  	_ =	shalt  }
0x70: {  	_ =	shalt  }
0x71: {  	_ =	shalt  }
0x72: {  	_ =	shalt  }
0x73: {  	_ =	shalt  }
0x74: {  	_ =	shalt  }
0x75: {  	_ =	shalt  }
0x76: {  	_ =	shalt  }
0x77: {  	_ =	shalt  }
0x78: {  	_ =	shalt  }
0x79: {  	_ =	shalt  }
0x7a: {  	_ =	shalt  }
0x7b: {  	_ =	shalt  }
0x7c: {  	_ =	shalt  }
0x7d: {  	_ =	shalt  }
0x7e: {  	_ =	shalt  }
0x7f: {  	_ =	shalt  }
0x80: {  	_ =	shalt  }
0x81: {  	_ =	shalt  }
0x82: {  	_ =	shalt  }
0x83: {  	_ =	shalt  }
0x84: {  	_ =	shalt  }
0x85: {  	_ =	shalt  }
0x86: {  	_ =	shalt  }
0x87: {  	_ =	shalt  }
.Lfunc_end0:
.L_simem_size_0:
called_computation_lowered:
.L_overlay_start_0:
0x88: {  	s2 =	sld [smem:$0x3FD9]  }
0x89: {  	s3 =	sld [smem:$0x3FFE];
	_ =	sdelay $0x1  }
0x8a: {  	s1 =	srdreg.scid  }
0x8b: {  	s0 =	sand.u32 $0x1, s1  }
0x8c: {  	s17 =	sshll.u32 s0, $0xA;
	s2 =	sadd.s32 s3, s2  }
0x8d: {  	s2 =	sadd.s32 s2, s17  }
0x8e: {  	[smem:$0x3FC6] =	sst s2  }
0x8f: {  	_ = 	snop  }
0x90: {  	s2 =	sld [smem:$0x3FC8];
	(tm) =	ssettm $0x1  }
0x91: {  	s18 =	sld [smem:$0x3FFB];
	_ =	sdelay $0x3  }
0x92: {  	_ =	strace s18  }
0x93: {  	s3 =	sld [smem:$0x3FFC];
	_ =	sdelay $0x3  }
0x94: {  	_ =	strace s3  }
0x95: {  	s3 =	sld [smem:$0x3FFD];
	_ =	sdelay $0x3  }
0x96: {  	_ =	strace s3  }
0x97: {  	_ =	strace $0x8FFFFFFF  }
0x98: {  	s19 =	sld [smem:$0x3FDB];
	_ =	sdelay $0x1  }
0x99: {  	s4 =	simm.s32 $_scs_section_size  }
0x9a: {  	s5 =	simm.s32 $_size__tile_overlayer_lowered;
	s6 =	simm.s32 $_tile_overlayer_lowered  }
0x9b: {  	s22 =	simm.s32 $0x1BFF;
	s21 =	sshll.u32 s6, $0x1;
	s3 =	sadd.s32 s4, s19  }
0x9c: {  	s7 =	simm.s32 $0x0;
	s20 =	sshll.u32 s5, $0x1;
	s5 =	sadd.s32 s21, s3  }
0x9d: {  	[timem:s7], [sflag:s22] =	dma.local [hbm:s5], s20  }
0x9e: {  	_ =	swait.ge [sflag:s22], s20  }
0x9f: {  	s4 =	ssub.s32 $0x0, s20;
	[sflag:s22] =	ssyncset.done $0x0  }
0xa0: {  	[sflag:s22] =	ssyncadd.s32 s4;
	_ =	sdelay $0x1  }
0xa1: {  	s23 =	simm.s32 $0x1B8B  }
0xa2: {  	_ =	swait.ge [sflag:s23], $0x1  }
0xa3: {  	[sflag:s23] =	ssyncset.done $0x0  }
0xa4: {  	s25 =	simm.s32 $0x1B8E;
	s24 =	sld [smem:$0x3FFE];
	[sflag:s23] =	ssyncadd.s32 $0xFFFFFFFF  }
0xa5: {  	s26 =	simm.s32 $execute0_lowered;
	[smem:$0x3FD2] =	sst s25  }
0xa6: {  	s5 =	sshll.u32 s26, $0x1;
	_ =	strace $0x80000046;
	[dreg:$0x1] =	wrdreg $0xFFFFFFFF  }
0xa7: {  	s28 =	simm.s32 $_size_execute0_lowered;
	s3 =	sadd.s32 s3, s5;
	[dreg:$0x0] =	wrdreg $0x0  }
0xa8: {  	s5 =	sshll.u32 s28, $0x1;
	[dreg:$0x2] =	wrdreg s3  }
0xa9: {  	[dreg:$0x3] =	wrdreg s5  }
0xaa: {  	[dreg:$0x4] =	wrdreg $0xC0  }
0xab: {  	_ =	task [dreg:s7], $0x5FFFF  }
0xac: {  	[dreg:$0x1] =	wrdreg $0xFFFFFFFF  }
0xad: {  	[dreg:$0x0] =	wrdreg $0x60  }
0xae: {  	[dreg:$0x2] =	wrdreg s24  }
0xaf: {  	[dreg:$0x3] =	wrdreg s2  }
0xb0: {  	[dreg:$0x4] =	wrdreg $0x9  }
0xb1: {  	_ =	task.clear_ibuf [dreg:s7], $0x5FFFF;
	_ =	strace $0x90000046  }
0xb2: {  	s29 =	simm.s32 $0x9;
	_ =	strace $0x80000048  }
0xb3: {  	_ =	swait.ge [sflag:s29], $0x1  }
0xb4: {  	[sflag:s29] =	ssyncadd.s32 $0xFFFFFFFF  }
0xb5: {  	_ =	strace $0x90000048  }
0xb6: {  	_ =	sfence  }
0xb7: {  	s30 =	sld [smem:$0x0];
	_ =	sdelay $0x2  }
0xb8: {  	s31 =	sshll.u32 s1, $0xD;
	s1 =	sshrl.u32 s1, $0x2  }
0xb9: {  	s3 =	sand.u32 $0x4000, s31;
	s1 =	sadd.s32 s1, s30  }
0xba: {  	s0 =	sor.u32 s3, s0;
	s1 =	sshll.u32 s1, $0x11  }
0xbb: {  	s0 =	sor.u32 s1, s0  }
0xbc: {  	s0 =	sadd.s32 $0x8F2B, s0  }
0xbd: {  	[sflag:s0] =	ssyncadd.remote.s32 $0x1  }
0xbe: {  	_ =	sfence.sel $0xFFFF  }
0xbf: {  	[dreg:$0x0] =	wrdreg $0xFFFFFFFF;
	(pc) =	sbr.abs _section_cstart, $3  }
0xc0: {  	[dreg:$0x1] =	wrdreg $0xFFFFFFFF  }
0xc1: {  	_ =	task.clear_ibuf [dreg:s7], $0x2FFFF;
	_ =	strace $0x9FFFFFFF  }
0xc2: {  	(tm) =	ssettm $0x7FFFFFFF  }
0xc3: {  	_ =	shalt  }
tec
execute0_lowered:
.L_overlay_start_1:
0x0: {  	(tag) =	ssettag $0x1  }
0x1: {  	s4 =	rddreg [dreg:$0x0]  }
0x2: {  	s5 =	rddreg [dreg:$0x1]  }
0x3: {  	s0 =	rddreg [dreg:$0x2];
	s3 =	srdreg.scid  }
0x4: {  	s1 =	stileid.u32;
	s2 =	simm.s32 $0x0;
	s10 =	simm.s32 $0x1  }
0x5: {  	s11 =	simm.s32 $0x200;
	s12 =	simm.s32 $0x0;
	s6 =	sand.u32 $0x1, s3  }
0x6: {  	s28 =	sshll.u32 s1, $0x1;
	[smem:$0x7FF] =	sst s2;
	s3 =	sadd.s32 $0x400, s4  }
0x7: {  	s30 =	sshll.u32 s1, $0x7;
	s7 =	sor.u32 s6, s28;
	_ =	strace $0x80000047  }
0x8: {  	s29 =	ssub.s32 $0x2, s6;
	s6 =	sand.u32 $0x600, s30;
	s8 =	sshll.u32 s7, $0xD  }
0x9: {  	s9 =	sshrl.u32 s29, $0x1;
	s7 =	sshll.u32 s7, $0x4;
	s5 =	sadd.s32 s5, s6  }
0xa: {  	s8 =	sadd.s32 s8, s4;
	s9 =	ssub.s32 s29, s9;
	s31 =	sand.u32 $0x70, s7  }
0xb: {  	s7 =	simm.s32 $0x80;
	s4 =	sadd.s32 s31, s5;
	s5 =	sadd.s32 $0xF42800, s8  }
0xc: {  	s6 =	smax.u32 s9, $0x1;
	s8 =	simm.s32 $0x400;
	s9 =	simm.s32 $0x2  }
.LBB2_1:
0xd: {  	[tilespmem:s2], [sflag:$0x2] =	stream.strided.gather [hbm4b:s4+s7], $0x200, s8, s7, $0x38;
	[tilespmem:$0x10200] =	vst v63  }
0xe: {  	_ =	swait.ge [sflag:s9], $0x200  }
0xf: {  	[sflag:s9] =	ssyncset.done $0x0  }
0x10: {  	s13 =	simm.s32 $0x0;
	s14 =	simm.s32 $0x0;
	[sflag:s9] =	ssyncadd.s32 $0xFFFFFE00  }
.LBB2_2:
0x11: {  	v0 =	vld [tilespmem:s13+$0x0];
	_ =	sdelay $0x4  }
0x12: {  	v1 =	vshrl.u32 v0, $0x3  }
0x13: {  	v0 =	vand.u32 $0x7, v0;
	v1 =	vshll.u32 v1, $0xA  }
0x14: {  	v0 =	vshll.u32 v0, $0x7;
	(v2sf) =	vpush v1, $0x0  }
0x15: {  	(v2sf) =	vpush v0, $0x0;
	_ =	sdelay $0x2  }
0x16: {  	(v2sf) =	vpush v1, $0x1  }
0x17: {  	(v2sf) =	vpush v0, $0x1;
	_ =	sdelay $0x2  }
0x18: {  	(v2sf) =	vpush v1, $0x2  }
0x19: {  	(v2sf) =	vpush v0, $0x2;
	_ =	sdelay $0x5  }
0x1a: {  	s15 =	spop (v2sf);
	(v2sf) =	vpush v1, $0x3  }
0x1b: {  	s16 =	spop (v2sf);
	(v2sf) =	vpush v0, $0x3;
	_ =	sdelay $0x2  }
0x1c: {  	s16 =	sor.u32 s16, s15;
	s29 =	spop (v2sf);
	(v2sf) =	vpush v1, $0x4  }
0x1d: {  	s15 =	sshra.s32 s14, $0x2;
	s16 =	sshrl.u32 s16, $0x3;
	s30 =	spop (v2sf);
	(v2sf) =	vpush v0, $0x4  }
0x1e: {  	s17 =	sadd.s32 $0x200, s15;
	s16 =	sadd.s32 s3, s16  }
0x1f: {  	[tilespmem:s17], [sflag:$0x1] =	stream.linear.gather [hbm4b:s16+s2], $0x80, $0x38;
	[tilespmem:$0x10200] =	vst v63  }
0x20: {  	s17 =	spop (v2sf);
	(v2sf) =	vpush v1, $0x5  }
0x21: {  	s18 =	spop (v2sf);
	(v2sf) =	vpush v0, $0x5;
	_ =	sdelay $0x5  }
0x22: {  	s16 =	sor.u32 s30, s29;
	s20 =	spop (v2sf);
	(v2sf) =	vpush v1, $0x6  }
0x23: {  	s16 =	sshrl.u32 s16, $0x3;
	s21 =	spop (v2sf);
	(v2sf) =	vpush v0, $0x6  }
0x24: {  	s31 =	sadd.s32 $0x280, s15;
	s16 =	sadd.s32 s3, s16  }
0x25: {  	[tilespmem:s31], [sflag:$0x1] =	stream.linear.gather [hbm4b:s16+s2], $0x80, $0x38;
	[tilespmem:$0x10200] =	vst v63  }
0x26: {  	s16 =	sor.u32 s18, s17;
	s23 =	spop (v2sf);
	(v2sf) =	vpush v1, $0x7  }
0x27: {  	s16 =	sshrl.u32 s16, $0x3;
	s24 =	spop (v2sf);
	(v2sf) =	vpush v0, $0x7  }
0x28: {  	s19 =	sadd.s32 $0x300, s15;
	s16 =	sadd.s32 s3, s16  }
0x29: {  	[tilespmem:s19], [sflag:$0x1] =	stream.linear.gather [hbm4b:s16+s2], $0x80, $0x38;
	[tilespmem:$0x10200] =	vst v63  }
0x2a: {  	s26 =	spop (v2sf);
	(v2sf) =	vpush v1, $0x8  }
0x2b: {  	s28 =	spop (v2sf);
	(v2sf) =	vpush v0, $0x8  }
0x2c: {  	s16 =	sor.u32 s21, s20  }
0x2d: {  	s16 =	sshrl.u32 s16, $0x3  }
0x2e: {  	s22 =	sadd.s32 $0x380, s15;
	s16 =	sadd.s32 s3, s16  }
0x2f: {  	[tilespmem:s22], [sflag:$0x1] =	stream.linear.gather [hbm4b:s16+s2], $0x80, $0x38;
	[tilespmem:$0x10200] =	vst v63  }
0x30: {  	s16 =	sor.u32 s24, s23  }
0x31: {  	s16 =	sshrl.u32 s16, $0x3;
	s30 =	spop (v2sf);
	(v2sf) =	vpush v1, $0x9  }
0x32: {  	s25 =	sadd.s32 $0x400, s15;
	s16 =	sadd.s32 s3, s16;
	s31 =	spop (v2sf);
	(v2sf) =	vpush v0, $0x9  }
0x33: {  	[tilespmem:s25], [sflag:$0x1] =	stream.linear.gather [hbm4b:s16+s2], $0x80, $0x38;
	[tilespmem:$0x10200] =	vst v63  }
0x34: {  	s16 =	sor.u32 s28, s26  }
0x35: {  	s16 =	sshrl.u32 s16, $0x3;
	s19 =	spop (v2sf);
	(v2sf) =	vpush v1, $0xA  }
0x36: {  	s29 =	sadd.s32 $0x480, s15;
	s16 =	sadd.s32 s3, s16;
	s20 =	spop (v2sf);
	(v2sf) =	vpush v0, $0xA  }
0x37: {  	[tilespmem:s29], [sflag:$0x1] =	stream.linear.gather [hbm4b:s16+s2], $0x80, $0x38;
	[tilespmem:$0x10200] =	vst v63  }
0x38: {  	s16 =	sor.u32 s31, s30  }
0x39: {  	s16 =	sshrl.u32 s16, $0x3;
	s22 =	spop (v2sf);
	(v2sf) =	vpush v1, $0xB  }
0x3a: {  	s18 =	sadd.s32 $0x500, s15;
	s16 =	sadd.s32 s3, s16;
	s23 =	spop (v2sf);
	(v2sf) =	vpush v0, $0xB  }
0x3b: {  	[tilespmem:s18], [sflag:$0x1] =	stream.linear.gather [hbm4b:s16+s2], $0x80, $0x38;
	[tilespmem:$0x10200] =	vst v63  }
0x3c: {  	s16 =	sor.u32 s20, s19  }
0x3d: {  	s16 =	sshrl.u32 s16, $0x3  }
0x3e: {  	s21 =	sadd.s32 $0x580, s15;
	s16 =	sadd.s32 s3, s16  }
0x3f: {  	[tilespmem:s21], [sflag:$0x1] =	stream.linear.gather [hbm4b:s16+s2], $0x80, $0x38;
	[tilespmem:$0x10200] =	vst v63  }
0x40: {  	s16 =	sor.u32 s23, s22;
	s25 =	spop (v2sf);
	(v2sf) =	vpush v1, $0xC  }
0x41: {  	s16 =	sshrl.u32 s16, $0x3;
	s26 =	spop (v2sf);
	(v2sf) =	vpush v0, $0xC  }
0x42: {  	s24 =	sadd.s32 $0x600, s15;
	s16 =	sadd.s32 s3, s16  }
0x43: {  	[tilespmem:s24], [sflag:$0x1] =	stream.linear.gather [hbm4b:s16+s2], $0x80, $0x38;
	[tilespmem:$0x10200] =	vst v63  }
0x44: {  	s16 =	sor.u32 s26, s25;
	s29 =	spop (v2sf);
	(v2sf) =	vpush v1, $0xD  }
0x45: {  	s16 =	sshrl.u32 s16, $0x3;
	s30 =	spop (v2sf);
	(v2sf) =	vpush v0, $0xD  }
0x46: {  	s28 =	sadd.s32 $0x680, s15;
	s16 =	sadd.s32 s3, s16  }
0x47: {  	[tilespmem:s28], [sflag:$0x1] =	stream.linear.gather [hbm4b:s16+s2], $0x80, $0x38;
	[tilespmem:$0x10200] =	vst v63  }
0x48: {  	s17 =	spop (v2sf);
	(v2sf) =	vpush v1, $0xE  }
0x49: {  	s18 =	spop (v2sf);
	(v2sf) =	vpush v0, $0xE  }
0x4a: {  	s16 =	sor.u32 s30, s29  }
0x4b: {  	s16 =	sshrl.u32 s16, $0x3  }
0x4c: {  	s31 =	sadd.s32 $0x700, s15;
	s16 =	sadd.s32 s3, s16  }
0x4d: {  	[tilespmem:s31], [sflag:$0x1] =	stream.linear.gather [hbm4b:s16+s2], $0x80, $0x38;
	[tilespmem:$0x10200] =	vst v63  }
0x4e: {  	s16 =	sor.u32 s18, s17  }
0x4f: {  	s16 =	sshrl.u32 s16, $0x3;
	s20 =	spop (v2sf);
	(v2sf) =	vpush v1, $0xF  }
0x50: {  	s19 =	sadd.s32 $0x780, s15;
	s16 =	sadd.s32 s3, s16;
	s21 =	spop (v2sf);
	(v2sf) =	vpush v0, $0xF  }
0x51: {  	[tilespmem:s19], [sflag:$0x1] =	stream.linear.gather [hbm4b:s16+s2], $0x80, $0x38;
	[tilespmem:$0x10200] =	vst v63  }
0x52: {  	s16 =	sor.u32 s21, s20  }
0x53: {  	s23 =	spop (v2sf);
	s16 =	sshrl.u32 s16, $0x3  }
0x54: {  	s22 =	sadd.s32 $0x800, s15;
	s24 =	spop (v2sf);
	s16 =	sadd.s32 s3, s16  }
0x55: {  	[tilespmem:s22], [sflag:$0x1] =	stream.linear.gather [hbm4b:s16+s2], $0x80, $0x38;
	[tilespmem:$0x10200] =	vst v63  }
0x56: {  	s16 =	sor.u32 s24, s23  }
0x57: {  	s26 =	spop (v2sf);
	s16 =	sshrl.u32 s16, $0x3  }
0x58: {  	s25 =	sadd.s32 $0x880, s15;
	s28 =	spop (v2sf);
	s16 =	sadd.s32 s3, s16  }
0x59: {  	[tilespmem:s25], [sflag:$0x1] =	stream.linear.gather [hbm4b:s16+s2], $0x80, $0x38;
	[tilespmem:$0x10200] =	vst v63  }
0x5a: {  	s16 =	sor.u32 s28, s26  }
0x5b: {  	s16 =	sshrl.u32 s16, $0x3  }
0x5c: {  	s29 =	sadd.s32 $0x900, s15;
	s16 =	sadd.s32 s3, s16  }
0x5d: {  	[tilespmem:s29], [sflag:$0x1] =	stream.linear.gather [hbm4b:s16+s2], $0x80, $0x38;
	[tilespmem:$0x10200] =	vst v63  }
0x5e: {  	p0 =	sne.s32 s14, $0x3E000;
	s30 =	spop (v2sf)  }
.Ltmp0:
0x5f: {  	s31 =	spop (v2sf);
	(pc) =	sbr.rel @p0 .LBB2_2-.Ltmp0, $4  }
0x60: {  	s16 =	sor.u32 s31, s30  }
0x61: {  	s13 =	sadd.s32 $0x10, s13;
	s16 =	sshrl.u32 s16, $0x3  }
0x62: {  	s14 =	sadd.s32 $0x2000, s14;
	s15 =	sadd.s32 $0x980, s15;
	s16 =	sadd.s32 s3, s16  }
0x63: {  	[tilespmem:s15], [sflag:$0x1] =	stream.linear.gather [hbm4b:s16+s2], $0x80, $0x38;
	[tilespmem:$0x10200] =	vst v63  }
0x64: {  	_ =	swait.ge [sflag:s10], $0x10000;
	s12 =	sadd.s32 $0x1, s12  }
0x65: {  	[sflag:s10] =	ssyncset.done $0x0;
	p0 =	sne.s32 s12, s6  }
.Ltmp1:
0x66: {  	[sflag:s10] =	ssyncadd.s32 $0xFFFF0000;
	(pc) =	sbr.rel @p0 .LBB2_1-.Ltmp1, $4  }
0x67: {  	[hbm4b:s5+s2] =	stream.linear.scatter [tilespmem:s11], [sflag:$0x2], $0x10000, $0x38;
	[tilespmem:$0x10200] =	vst v63  }
0x68: {  	_ =	swait.ge [sflag:s9], $0x10000  }
0x69: {  	[sflag:s9] =	ssyncset.done $0x0  }
0x6a: {  	[sflag:s9] =	ssyncadd.s32 $0xFFFF0000  }
0x6b: {  	_ =	sfence.sel $0x180000  }
0x6c: {  	[bflag:$0x0] =	sbarrier.arrive $0xFFFF  }
0x6d: {  	p0 =	sne.s32 s1, $0x0;
	_ =	strace $0x90000047  }
0x6e: {  	s0 =	sadd.s32 @!p0 $0x100000, s0;
	[bflag:$0x2] =	sbarrier.arrive $0xFFFF  }
0x6f: {  	[sflag:s0] =	ssyncadd.tile.s32 @!p0 $0x1;
	_ =	shalt  }
.Lfunc_end2:
_tile_overlayer_lowered:
.L_overlay_start_2:
0x70: {  	(tag) =	ssettag $0x2  }
0x71: {  	s0 =	rddreg [dreg:$0x0];
	s2 =	stileid.u32  }
0x72: {  	s1 =	rddreg [dreg:$0x1];
	p0 =	sne.s32 s2, $0x0  }
0x73: {  	s3 =	rddreg [dreg:$0x2];
	[bflag:$0x3] =	sbarrier.arrive $0xFFFF;
	s2 =	simm.s32 @!p0 $0x1C02  }
0x74: {  	[timem:s3], [sflag:s2] =	dma.local @!p0 [hbm:s0], s1  }
0x75: {  	s0 =	simm.s32 @!p0 $0x2  }
0x76: {  	_ =	swait.ge @!p0 [sflag:s0], s1  }
0x77: {  	s1 =	ssub.s32 @!p0 $0x0, s1;
	[sflag:s0] =	ssyncset.done @!p0 $0x0  }
0x78: {  	[sflag:s0] =	ssyncadd.s32 @!p0 s1  }
0x79: {  	[bflag:$0x3] =	sbarrier.arrive $0xFFFF  }
0x7a: {  	_ =	shalt  }

</sc_bundles>
